<compile_context>
chip_gen: v7x
topology: tpu7x:2x2x1
jax: 0.10.2.dev20260603
libtpu: 0.0.44.dev20260713+nightly
codegen_flags: <defaults>
</compile_context>

<pallas_src>
import functools

import jax
import jax.numpy as jnp
from jax import lax
from jax.experimental import pallas as pl
from jax.experimental.pallas import tpu as pltpu
from jax.experimental.pallas import tpu_sc as plsc

_NC = 2
_NS = 16
_NW = _NC * _NS

_CH = 512
_G = 128
_PAD = 128
_W = 72

_CHT = 4096


@functools.lru_cache(maxsize=None)
def _build_gather(n_rows: int):
    assert n_rows % (_NW * _CH) == 0
    n_per_w = n_rows // _NW
    n_chunks = n_per_w // _CH
    mesh = plsc.VectorSubcoreMesh(core_axis_name="c", subcore_axis_name="s")

    @functools.partial(
        pl.kernel,
        mesh=mesh,
        compiler_params=pltpu.CompilerParams(use_tc_tiling_on_sc=False),
        out_type=jax.ShapeDtypeStruct((n_rows, _PAD), jnp.float32),
        scratch_types=[
            pltpu.VMEM((_CH,), jnp.int32),
            pltpu.VMEM((_CH, _PAD), jnp.float32),
            pltpu.SemaphoreType.DMA,
        ],
    )
    def gather_kernel(idx_hbm, table_hbm, out_hbm, idx_v, rows_v, sem):
        wid = lax.axis_index("s") * _NC + lax.axis_index("c")
        base = wid * n_per_w

        def chunk_body(c, carry):
            off = base + c * _CH
            pltpu.sync_copy(idx_hbm.at[pl.ds(off, _CH)], idx_v)
            copies = []
            for g in range(_CH // _G):
                copies.append(
                    pltpu.async_copy(
                        table_hbm.at[idx_v.at[pl.ds(g * _G, _G)]],
                        rows_v.at[pl.ds(g * _G, _G)],
                        sem,
                    )
                )
            for cp in copies:
                cp.wait()
            pltpu.sync_copy(
                rows_v.at[pl.ds(0, _CH), pl.ds(0, _W)],
                out_hbm.at[pl.ds(off, _CH), pl.ds(0, _W)],
            )
            return carry

        lax.fori_loop(0, n_chunks, chunk_body, 0)

    return gather_kernel


_TB = 1024


@functools.lru_cache(maxsize=None)
def _build_transpose_pad(n_nodes: int, n_cols: int):
    def transpose_body(in_ref, out_ref):
        out_ref[:, :n_cols] = in_ref[...].T

    return pl.pallas_call(
        transpose_body,
        grid=(pl.cdiv(n_nodes, _TB),),
        in_specs=[pl.BlockSpec((n_cols, _TB), lambda i: (0, i))],
        out_specs=pl.BlockSpec((_TB, _PAD), lambda i: (i, 0)),
        out_shape=jax.ShapeDtypeStruct((n_nodes, _PAD), jnp.float32),
    )


_RB = 256
_RH = 8


@functools.lru_cache(maxsize=None)
def _build_repack_t(n_batch: int, n_hist: int, n_cols: int):
    assert n_batch % _RB == 0 and n_hist % _RH == 0

    def repack_body(in_ref, out_ref):
        for h in range(_RH):
            out_ref[:, h, :] = in_ref[:, h, :].T[:n_cols]

    return pl.pallas_call(
        repack_body,
        grid=(n_batch // _RB, n_hist // _RH),
        in_specs=[pl.BlockSpec((_RB, _RH, _PAD), lambda i, j: (i, j, 0))],
        out_specs=pl.BlockSpec((n_cols, _RH, _RB), lambda i, j: (0, j, i)),
        out_shape=jax.ShapeDtypeStruct((n_cols, n_hist, n_batch), jnp.float32),
    )


def kernel(x, embedding):
    b, h = x.shape
    n = b * h
    n_nodes, n_cols = embedding.shape
    idx = x.reshape(n).astype(jnp.int32)
    table_pad = _build_transpose_pad(n_nodes, n_cols)(embedding.T)
    out_pad = _build_gather(n)(idx, table_pad)
    out_t = _build_repack_t(b, h, n_cols)(out_pad.reshape(b, h, _PAD))
    return out_t.transpose(2, 1, 0)

# --- scband reference (transcript-rebuilt; emitter-appended) ---
"""Pipeline reference for scband-embedding-layer-6330781794985 (READ-ONLY COPY).

The authoritative reference and input builder live on the scoring server;
editing this copy changes nothing except your own understanding.
"""

import jax, jax.numpy as jnp
import numpy as np

NUM_NODES = 1000000
EMBEDDING_DIM = 64
BATCH = 4096
HIST = 200

def hyperboloid_initializer(key, shape, r_max=0.001):
    num_samples, dim = shape
    k1, k2 = jax.random.split(key)
    X = jax.random.normal(k1, shape, dtype=jnp.float32)
    X_norm = jnp.sqrt(jnp.sum(jnp.square(X), axis=-1, keepdims=True))
    U = jax.random.uniform(k2, (num_samples, 1), dtype=jnp.float32)
    w = r_max * U ** (1.0 / dim) * X / X_norm
    # poincare ball -> hyperboloid (append t coordinate)
    x = 2.0 * w
    t = 1.0 + jnp.sum(jnp.square(w), axis=-1, keepdims=True)
    x = jnp.concatenate([x, t], axis=-1)
    return 1.0 / (1.0 - jnp.sum(jnp.square(w), axis=-1, keepdims=True)) * x

def setup_inputs(seed: int = 0) -> dict:
    key = jax.random.key(seed)
    k_idx, k_emb = jax.random.split(key)
    x = jax.random.randint(k_idx, (BATCH, HIST), 0, NUM_NODES)
    # learned parameter: hyperboloid-initialized embedding table.
    # Note: the keras initializer appends a t-coordinate, so the realized
    # table has EMBEDDING_DIM + 1 columns (matches compute_output_shape).
    embedding = hyperboloid_initializer(k_emb, (NUM_NODES, EMBEDDING_DIM))
    return {"x": x, "embedding": embedding}

def reference(x, embedding):
    idx = x.astype(jnp.int32)
    return jnp.take(embedding, idx, axis=0)

if __name__ == "__main__":
    import jax
    _d = setup_inputs()
    print(jax.jit(kernel)(*tuple(_d.values())))

</pallas_src>

<mosaic_0001>
#map = affine_map<(d0, d1) -> (0)>
#map1 = affine_map<(d0, d1) -> (0, 0)>
module attributes {stable_mosaic.version = 14 : i64} {
  func.func @gather_kernel(%arg0: i32, %arg1: i32, %arg2: memref<819200xi32, #tpu.memory_space<hbm>>, %arg3: memref<1000000x128xf32, #tpu.memory_space<hbm>>, %arg4: memref<819200x128xf32, #tpu.memory_space<hbm>>, %arg5: memref<512xi32, #tpu.memory_space<vmem>>, %arg6: memref<512x128xf32, #tpu.memory_space<vmem>>, %arg7: memref<!tpu.dma_semaphore, #tpu.memory_space<semaphore_mem>>) attributes {dimension_semantics = [#tpu.dimension_semantics<core_parallel>, #tpu.dimension_semantics<subcore_parallel>], iteration_bounds = array<i64: 2, 16>, scalar_prefetch = 0 : i64, scratch_operands = 3 : i64, tpu.core_type = #tpu.core_type<sc_vector_subcore>, window_params = [{transform_indices = #map}, {transform_indices = #map1}, {transform_indices = #map1}]} {
    %mul3A = arith.constant 2 : i32
    %mul3A_0 = arith.muli %arg1, %mul3A : i32
    %add3A = arith.addi %mul3A_0, %arg0 : i32
    %mul3A_1 = arith.constant 25600 : i32
    %mul3A_2 = arith.muli %add3A, %mul3A_1 : i32
    %scan3A = arith.constant 0 : i32
    %scan3A_3 = arith.constant 0 : i32
    %scan3A_4 = arith.constant 50 : i32
    %scan3A_5 = arith.addi %scan3A_3, %scan3A_4 : i32
    %scan3A_6 = arith.constant 1 : i32
    scf.for %scan3A_8 = %scan3A_3 to %scan3A_5 step %scan3A_6  : i32 {
      %mul3A_9 = arith.constant 512 : i32
      %mul3A_10 = arith.muli %scan3A_8, %mul3A_9 : i32
      %add3A_11 = arith.addi %mul3A_2, %mul3A_10 : i32
      "tpu.region"() ({
        %run_scoped3A = tpu.sem_alloc : memref<!tpu.dma_semaphore, #tpu.memory_space<semaphore_mem>>
        %dma_start3A_74 = tpu.memref_slice %arg2[%add3A_11] : memref<819200xi32, #tpu.memory_space<hbm>> -> memref<512xi32, #tpu.memory_space<hbm>>
        %dma_start3A_75 = tpu.memref_slice %arg2[%add3A_11] : memref<819200xi32, #tpu.memory_space<hbm>> -> memref<512xi32, #tpu.memory_space<hbm>>
        tpu.enqueue_dma source(%dma_start3A_75 : memref<512xi32, #tpu.memory_space<hbm>>) target(%arg5 : memref<512xi32, #tpu.memory_space<vmem>>) target_semaphore(%run_scoped3A : memref<!tpu.dma_semaphore, #tpu.memory_space<semaphore_mem>>)
        %dma_wait3A_76 = tpu.memref_slice %arg2[%add3A_11] : memref<819200xi32, #tpu.memory_space<hbm>> -> memref<512xi32, #tpu.memory_space<hbm>>
        %dma_wait3A_77 = tpu.memref_slice %arg2[%add3A_11] : memref<819200xi32, #tpu.memory_space<hbm>> -> memref<512xi32, #tpu.memory_space<hbm>>
        tpu.wait_dma2 semaphore(%run_scoped3A : memref<!tpu.dma_semaphore, #tpu.memory_space<semaphore_mem>>) src(%dma_wait3A_77 : memref<512xi32, #tpu.memory_space<hbm>>) dst(%arg5 : memref<512xi32, #tpu.memory_space<vmem>>)
        tpu.yield
      }) : () -> ()
      %dma_start3A = arith.constant 0 : i32
      %dma_start3A_12 = arith.constant 0 : i32
      %dma_start3A_13 = tpu.memref_slice %arg6[%dma_start3A, %dma_start3A_12] : memref<512x128xf32, #tpu.memory_space<vmem>> -> memref<128x128xf32, #tpu.memory_space<vmem>>
      %dma_start3A_14 = arith.constant 0 : i32
      %dma_start3A_15 = tpu.memref_slice %arg5[%dma_start3A_14] : memref<512xi32, #tpu.memory_space<vmem>> -> memref<128xi32, #tpu.memory_space<vmem>>
      %dma_start3A_16 = arith.constant 0 : i32
      %dma_start3A_17 = arith.constant 0 : i32
      %dma_start3A_18 = tpu.memref_slice %arg3[%dma_start3A_16, %dma_start3A_17] : memref<1000000x128xf32, #tpu.memory_space<hbm>> -> memref<1000000x128xf32, #tpu.memory_space<hbm>>
      tpu.enqueue_indirect_dma source(%dma_start3A_18 : memref<1000000x128xf32, #tpu.memory_space<hbm>>) target(%dma_start3A_13 : memref<128x128xf32, #tpu.memory_space<vmem>>) offsets(%dma_start3A_15 : memref<128xi32, #tpu.memory_space<vmem>>) semaphore(%arg7 : memref<!tpu.dma_semaphore, #tpu.memory_space<semaphore_mem>>)
      %dma_start3A_19 = arith.constant 128 : i32
      %dma_start3A_20 = arith.constant 0 : i32
      %dma_start3A_21 = tpu.memref_slice %arg6[%dma_start3A_19, %dma_start3A_20] : memref<512x128xf32, #tpu.memory_space<vmem>> -> memref<128x128xf32, #tpu.memory_space<vmem>>
      %dma_start3A_22 = arith.constant 128 : i32
      %dma_start3A_23 = tpu.memref_slice %arg5[%dma_start3A_22] : memref<512xi32, #tpu.memory_space<vmem>> -> memref<128xi32, #tpu.memory_space<vmem>>
      %dma_start3A_24 = arith.constant 0 : i32
      %dma_start3A_25 = arith.constant 0 : i32
      %dma_start3A_26 = tpu.memref_slice %arg3[%dma_start3A_24, %dma_start3A_25] : memref<1000000x128xf32, #tpu.memory_space<hbm>> -> memref<1000000x128xf32, #tpu.memory_space<hbm>>
      tpu.enqueue_indirect_dma source(%dma_start3A_26 : memref<1000000x128xf32, #tpu.memory_space<hbm>>) target(%dma_start3A_21 : memref<128x128xf32, #tpu.memory_space<vmem>>) offsets(%dma_start3A_23 : memref<128xi32, #tpu.memory_space<vmem>>) semaphore(%arg7 : memref<!tpu.dma_semaphore, #tpu.memory_space<semaphore_mem>>)
      %dma_start3A_27 = arith.constant 256 : i32
      %dma_start3A_28 = arith.constant 0 : i32
      %dma_start3A_29 = tpu.memref_slice %arg6[%dma_start3A_27, %dma_start3A_28] : memref<512x128xf32, #tpu.memory_space<vmem>> -> memref<128x128xf32, #tpu.memory_space<vmem>>
      %dma_start3A_30 = arith.constant 256 : i32
      %dma_start3A_31 = tpu.memref_slice %arg5[%dma_start3A_30] : memref<512xi32, #tpu.memory_space<vmem>> -> memref<128xi32, #tpu.memory_space<vmem>>
      %dma_start3A_32 = arith.constant 0 : i32
      %dma_start3A_33 = arith.constant 0 : i32
      %dma_start3A_34 = tpu.memref_slice %arg3[%dma_start3A_32, %dma_start3A_33] : memref<1000000x128xf32, #tpu.memory_space<hbm>> -> memref<1000000x128xf32, #tpu.memory_space<hbm>>
      tpu.enqueue_indirect_dma source(%dma_start3A_34 : memref<1000000x128xf32, #tpu.memory_space<hbm>>) target(%dma_start3A_29 : memref<128x128xf32, #tpu.memory_space<vmem>>) offsets(%dma_start3A_31 : memref<128xi32, #tpu.memory_space<vmem>>) semaphore(%arg7 : memref<!tpu.dma_semaphore, #tpu.memory_space<semaphore_mem>>)
      %dma_start3A_35 = arith.constant 384 : i32
      %dma_start3A_36 = arith.constant 0 : i32
      %dma_start3A_37 = tpu.memref_slice %arg6[%dma_start3A_35, %dma_start3A_36] : memref<512x128xf32, #tpu.memory_space<vmem>> -> memref<128x128xf32, #tpu.memory_space<vmem>>
      %dma_start3A_38 = arith.constant 384 : i32
      %dma_start3A_39 = tpu.memref_slice %arg5[%dma_start3A_38] : memref<512xi32, #tpu.memory_space<vmem>> -> memref<128xi32, #tpu.memory_space<vmem>>
      %dma_start3A_40 = arith.constant 0 : i32
      %dma_start3A_41 = arith.constant 0 : i32
      %dma_start3A_42 = tpu.memref_slice %arg3[%dma_start3A_40, %dma_start3A_41] : memref<1000000x128xf32, #tpu.memory_space<hbm>> -> memref<1000000x128xf32, #tpu.memory_space<hbm>>
      tpu.enqueue_indirect_dma source(%dma_start3A_42 : memref<1000000x128xf32, #tpu.memory_space<hbm>>) target(%dma_start3A_37 : memref<128x128xf32, #tpu.memory_space<vmem>>) offsets(%dma_start3A_39 : memref<128xi32, #tpu.memory_space<vmem>>) semaphore(%arg7 : memref<!tpu.dma_semaphore, #tpu.memory_space<semaphore_mem>>)
      %dma_wait3A = arith.constant 0 : i32
      %dma_wait3A_43 = arith.constant 0 : i32
      %dma_wait3A_44 = tpu.memref_slice %arg6[%dma_wait3A, %dma_wait3A_43] : memref<512x128xf32, #tpu.memory_space<vmem>> -> memref<128x128xf32, #tpu.memory_space<vmem>>
      %dma_wait3A_45 = arith.constant 0 : i32
      %dma_wait3A_46 = tpu.memref_slice %arg5[%dma_wait3A_45] : memref<512xi32, #tpu.memory_space<vmem>> -> memref<128xi32, #tpu.memory_space<vmem>>
      %dma_wait3A_47 = arith.constant 0 : i32
      %dma_wait3A_48 = arith.constant 0 : i32
      %dma_wait3A_49 = tpu.memref_slice %arg3[%dma_wait3A_47, %dma_wait3A_48] : memref<1000000x128xf32, #tpu.memory_space<hbm>> -> memref<1000000x128xf32, #tpu.memory_space<hbm>>
      tpu.wait_indirect_dma semaphore(%arg7 : memref<!tpu.dma_semaphore, #tpu.memory_space<semaphore_mem>>) src(%dma_wait3A_49 : memref<1000000x128xf32, #tpu.memory_space<hbm>>) dst(%dma_wait3A_44 : memref<128x128xf32, #tpu.memory_space<vmem>>)
      %dma_wait3A_50 = arith.constant 128 : i32
      %dma_wait3A_51 = arith.constant 0 : i32
      %dma_wait3A_52 = tpu.memref_slice %arg6[%dma_wait3A_50, %dma_wait3A_51] : memref<512x128xf32, #tpu.memory_space<vmem>> -> memref<128x128xf32, #tpu.memory_space<vmem>>
      %dma_wait3A_53 = arith.constant 128 : i32
      %dma_wait3A_54 = tpu.memref_slice %arg5[%dma_wait3A_53] : memref<512xi32, #tpu.memory_space<vmem>> -> memref<128xi32, #tpu.memory_space<vmem>>
      %dma_wait3A_55 = arith.constant 0 : i32
      %dma_wait3A_56 = arith.constant 0 : i32
      %dma_wait3A_57 = tpu.memref_slice %arg3[%dma_wait3A_55, %dma_wait3A_56] : memref<1000000x128xf32, #tpu.memory_space<hbm>> -> memref<1000000x128xf32, #tpu.memory_space<hbm>>
      tpu.wait_indirect_dma semaphore(%arg7 : memref<!tpu.dma_semaphore, #tpu.memory_space<semaphore_mem>>) src(%dma_wait3A_57 : memref<1000000x128xf32, #tpu.memory_space<hbm>>) dst(%dma_wait3A_52 : memref<128x128xf32, #tpu.memory_space<vmem>>)
      %dma_wait3A_58 = arith.constant 256 : i32
      %dma_wait3A_59 = arith.constant 0 : i32
      %dma_wait3A_60 = tpu.memref_slice %arg6[%dma_wait3A_58, %dma_wait3A_59] : memref<512x128xf32, #tpu.memory_space<vmem>> -> memref<128x128xf32, #tpu.memory_space<vmem>>
      %dma_wait3A_61 = arith.constant 256 : i32
      %dma_wait3A_62 = tpu.memref_slice %arg5[%dma_wait3A_61] : memref<512xi32, #tpu.memory_space<vmem>> -> memref<128xi32, #tpu.memory_space<vmem>>
      %dma_wait3A_63 = arith.constant 0 : i32
      %dma_wait3A_64 = arith.constant 0 : i32
      %dma_wait3A_65 = tpu.memref_slice %arg3[%dma_wait3A_63, %dma_wait3A_64] : memref<1000000x128xf32, #tpu.memory_space<hbm>> -> memref<1000000x128xf32, #tpu.memory_space<hbm>>
      tpu.wait_indirect_dma semaphore(%arg7 : memref<!tpu.dma_semaphore, #tpu.memory_space<semaphore_mem>>) src(%dma_wait3A_65 : memref<1000000x128xf32, #tpu.memory_space<hbm>>) dst(%dma_wait3A_60 : memref<128x128xf32, #tpu.memory_space<vmem>>)
      %dma_wait3A_66 = arith.constant 384 : i32
      %dma_wait3A_67 = arith.constant 0 : i32
      %dma_wait3A_68 = tpu.memref_slice %arg6[%dma_wait3A_66, %dma_wait3A_67] : memref<512x128xf32, #tpu.memory_space<vmem>> -> memref<128x128xf32, #tpu.memory_space<vmem>>
      %dma_wait3A_69 = arith.constant 384 : i32
      %dma_wait3A_70 = tpu.memref_slice %arg5[%dma_wait3A_69] : memref<512xi32, #tpu.memory_space<vmem>> -> memref<128xi32, #tpu.memory_space<vmem>>
      %dma_wait3A_71 = arith.constant 0 : i32
      %dma_wait3A_72 = arith.constant 0 : i32
      %dma_wait3A_73 = tpu.memref_slice %arg3[%dma_wait3A_71, %dma_wait3A_72] : memref<1000000x128xf32, #tpu.memory_space<hbm>> -> memref<1000000x128xf32, #tpu.memory_space<hbm>>
      tpu.wait_indirect_dma semaphore(%arg7 : memref<!tpu.dma_semaphore, #tpu.memory_space<semaphore_mem>>) src(%dma_wait3A_73 : memref<1000000x128xf32, #tpu.memory_space<hbm>>) dst(%dma_wait3A_68 : memref<128x128xf32, #tpu.memory_space<vmem>>)
      "tpu.region"() ({
        %run_scoped3A = tpu.sem_alloc : memref<!tpu.dma_semaphore, #tpu.memory_space<semaphore_mem>>
        %dma_start3A_74 = arith.constant 0 : i32
        %dma_start3A_75 = arith.constant 0 : i32
        %dma_start3A_76 = tpu.memref_slice %arg6[%dma_start3A_74, %dma_start3A_75] : memref<512x128xf32, #tpu.memory_space<vmem>> -> memref<512x72xf32, #tpu.memory_space<vmem>>
        %dma_start3A_77 = arith.constant 0 : i32
        %dma_start3A_78 = tpu.memref_slice %arg4[%add3A_11, %dma_start3A_77] : memref<819200x128xf32, #tpu.memory_space<hbm>> -> memref<512x72xf32, #tpu.memory_space<hbm>>
        %dma_start3A_79 = arith.constant 0 : i32
        %dma_start3A_80 = tpu.memref_slice %arg4[%add3A_11, %dma_start3A_79] : memref<819200x128xf32, #tpu.memory_space<hbm>> -> memref<512x72xf32, #tpu.memory_space<hbm>>
        %dma_start3A_81 = arith.constant 0 : i32
        %dma_start3A_82 = arith.constant 0 : i32
        %dma_start3A_83 = tpu.memref_slice %arg6[%dma_start3A_81, %dma_start3A_82] : memref<512x128xf32, #tpu.memory_space<vmem>> -> memref<512x72xf32, #tpu.memory_space<vmem>>
        tpu.enqueue_dma source(%dma_start3A_83 : memref<512x72xf32, #tpu.memory_space<vmem>>) target(%dma_start3A_80 : memref<512x72xf32, #tpu.memory_space<hbm>>) target_semaphore(%run_scoped3A : memref<!tpu.dma_semaphore, #tpu.memory_space<semaphore_mem>>)
        %dma_wait3A_84 = arith.constant 0 : i32
        %dma_wait3A_85 = arith.constant 0 : i32
        %dma_wait3A_86 = tpu.memref_slice %arg6[%dma_wait3A_84, %dma_wait3A_85] : memref<512x128xf32, #tpu.memory_space<vmem>> -> memref<512x72xf32, #tpu.memory_space<vmem>>
        %dma_wait3A_87 = arith.constant 0 : i32
        %dma_wait3A_88 = tpu.memref_slice %arg4[%add3A_11, %dma_wait3A_87] : memref<819200x128xf32, #tpu.memory_space<hbm>> -> memref<512x72xf32, #tpu.memory_space<hbm>>
        %dma_wait3A_89 = arith.constant 0 : i32
        %dma_wait3A_90 = tpu.memref_slice %arg4[%add3A_11, %dma_wait3A_89] : memref<819200x128xf32, #tpu.memory_space<hbm>> -> memref<512x72xf32, #tpu.memory_space<hbm>>
        %dma_wait3A_91 = arith.constant 0 : i32
        %dma_wait3A_92 = arith.constant 0 : i32
        %dma_wait3A_93 = tpu.memref_slice %arg6[%dma_wait3A_91, %dma_wait3A_92] : memref<512x128xf32, #tpu.memory_space<vmem>> -> memref<512x72xf32, #tpu.memory_space<vmem>>
        tpu.wait_dma2 semaphore(%run_scoped3A : memref<!tpu.dma_semaphore, #tpu.memory_space<semaphore_mem>>) src(%dma_wait3A_93 : memref<512x72xf32, #tpu.memory_space<vmem>>) dst(%dma_wait3A_90 : memref<512x72xf32, #tpu.memory_space<hbm>>)
        tpu.yield
      }) : () -> ()
    }
    %scan3A_7 = arith.constant 50 : i32
    return
  }
}

module attributes {stable_mosaic.version = 14 : i64} {
  func.func @transpose_body(%arg0: i32, %arg1: memref<65x1024xf32, #tpu.memory_space<vmem>>, %arg2: memref<1024x128xf32, #tpu.memory_space<vmem>>) attributes {dimension_semantics = [#tpu.dimension_semantics<arbitrary>], iteration_bounds = array<i64: 977>, scalar_prefetch = 0 : i64, scratch_operands = 0 : i64, tpu.core_type = #tpu.core_type<tc>, window_params = [{transform_indices = @transform_0, window_bounds = array<i64: 65, 1024>}, {transform_indices = @transform_1, window_bounds = array<i64: 1024, 128>}]} {
    %get3A = arith.constant 0 : index
    %get3A_0 = arith.constant 0 : index
    %get3A_1 = vector.load %arg1[%get3A, %get3A_0] : memref<65x1024xf32, #tpu.memory_space<vmem>>, vector<65x1024xf32>
    %transpose3A = tpu.transpose %get3A_1, [1, 0] : vector<65x1024xf32> -> vector<1024x65xf32>
    %swap3A = arith.constant 0 : index
    %swap3A_2 = arith.constant 0 : index
    %swap3A_3 = vector.load %arg2[%swap3A, %swap3A_2] : memref<1024x128xf32, #tpu.memory_space<vmem>>, vector<1024x65xf32>
    tpu.vector_store %arg2[%swap3A, %swap3A_2], %transpose3A {strides = array<i32>} : memref<1024x128xf32, #tpu.memory_space<vmem>>, vector<1024x65xf32>,
    return
  }
  func.func @transform_0(%arg0: i32) -> (i32, i32) {
    %c0_i32 = arith.constant 0 : i32
    %c0_i32_0 = arith.constant 0 : i32
    return %c0_i32, %arg0 : i32, i32
  }
  func.func @transform_1(%arg0: i32) -> (i32, i32) {
    %c0_i32 = arith.constant 0 : i32
    %c0_i32_0 = arith.constant 0 : i32
    return %arg0, %c0_i32 : i32, i32
  }
}

module attributes {stable_mosaic.version = 14 : i64} {
  func.func @repack_body(%arg0: i32, %arg1: i32, %arg2: memref<256x8x128xf32, #tpu.memory_space<vmem>>, %arg3: memref<65x8x256xf32, #tpu.memory_space<vmem>>) attributes {dimension_semantics = [#tpu.dimension_semantics<arbitrary>, #tpu.dimension_semantics<arbitrary>], iteration_bounds = array<i64: 16, 25>, scalar_prefetch = 0 : i64, scratch_operands = 0 : i64, tpu.core_type = #tpu.core_type<tc>, window_params = [{transform_indices = @transform_0, window_bounds = array<i64: 256, 8, 128>}, {transform_indices = @transform_1, window_bounds = array<i64: 65, 8, 256>}]} {
    %get3A = arith.constant 0 : index
    %get3A_0 = arith.constant 0 : index
    %get3A_1 = arith.constant 0 : index
    %get3A_2 = vector.load %arg2[%get3A, %get3A_0, %get3A_1] : memref<256x8x128xf32, #tpu.memory_space<vmem>>, vector<256x1x128xf32>
    %get3A_3 = vector.shape_cast %get3A_2 : vector<256x1x128xf32> to vector<256x128xf32>
    %transpose3A = tpu.transpose %get3A_3, [1, 0] : vector<256x128xf32> -> vector<128x256xf32>
    %slice3A = vector.extract_strided_slice %transpose3A {offsets = [0, 0], sizes = [65, 256], strides = [1, 1]} : vector<128x256xf32> to vector<65x256xf32>
    %swap3A = arith.constant 0 : index
    %swap3A_4 = arith.constant 0 : index
    %swap3A_5 = arith.constant 0 : index
    %swap3A_6 = vector.load %arg3[%swap3A, %swap3A_4, %swap3A_5] : memref<65x8x256xf32, #tpu.memory_space<vmem>>, vector<65x1x256xf32>
    %swap3A_7 = vector.shape_cast %swap3A_6 : vector<65x1x256xf32> to vector<65x256xf32>
    %swap3A_8 = vector.shape_cast %slice3A : vector<65x256xf32> to vector<65x1x256xf32>
    tpu.vector_store %arg3[%swap3A, %swap3A_4, %swap3A_5], %swap3A_8 {strides = array<i32>} : memref<65x8x256xf32, #tpu.memory_space<vmem>>, vector<65x1x256xf32>,
    %get3A_9 = arith.constant 0 : index
    %get3A_10 = arith.constant 1 : index
    %get3A_11 = arith.constant 0 : index
    %get3A_12 = vector.load %arg2[%get3A_9, %get3A_10, %get3A_11] : memref<256x8x128xf32, #tpu.memory_space<vmem>>, vector<256x1x128xf32>
    %get3A_13 = vector.shape_cast %get3A_12 : vector<256x1x128xf32> to vector<256x128xf32>
    %transpose3A_14 = tpu.transpose %get3A_13, [1, 0] : vector<256x128xf32> -> vector<128x256xf32>
    %slice3A_15 = vector.extract_strided_slice %transpose3A_14 {offsets = [0, 0], sizes = [65, 256], strides = [1, 1]} : vector<128x256xf32> to vector<65x256xf32>
    %swap3A_16 = arith.constant 0 : index
    %swap3A_17 = arith.constant 1 : index
    %swap3A_18 = arith.constant 0 : index
    %swap3A_19 = vector.load %arg3[%swap3A_16, %swap3A_17, %swap3A_18] : memref<65x8x256xf32, #tpu.memory_space<vmem>>, vector<65x1x256xf32>
    %swap3A_20 = vector.shape_cast %swap3A_19 : vector<65x1x256xf32> to vector<65x256xf32>
    %swap3A_21 = vector.shape_cast %slice3A_15 : vector<65x256xf32> to vector<65x1x256xf32>
    tpu.vector_store %arg3[%swap3A_16, %swap3A_17, %swap3A_18], %swap3A_21 {strides = array<i32>} : memref<65x8x256xf32, #tpu.memory_space<vmem>>, vector<65x1x256xf32>,
    %get3A_22 = arith.constant 0 : index
    %get3A_23 = arith.constant 2 : index
    %get3A_24 = arith.constant 0 : index
    %get3A_25 = vector.load %arg2[%get3A_22, %get3A_23, %get3A_24] : memref<256x8x128xf32, #tpu.memory_space<vmem>>, vector<256x1x128xf32>
    %get3A_26 = vector.shape_cast %get3A_25 : vector<256x1x128xf32> to vector<256x128xf32>
    %transpose3A_27 = tpu.transpose %get3A_26, [1, 0] : vector<256x128xf32> -> vector<128x256xf32>
    %slice3A_28 = vector.extract_strided_slice %transpose3A_27 {offsets = [0, 0], sizes = [65, 256], strides = [1, 1]} : vector<128x256xf32> to vector<65x256xf32>
    %swap3A_29 = arith.constant 0 : index
    %swap3A_30 = arith.constant 2 : index
    %swap3A_31 = arith.constant 0 : index
    %swap3A_32 = vector.load %arg3[%swap3A_29, %swap3A_30, %swap3A_31] : memref<65x8x256xf32, #tpu.memory_space<vmem>>, vector<65x1x256xf32>
    %swap3A_33 = vector.shape_cast %swap3A_32 : vector<65x1x256xf32> to vector<65x256xf32>
    %swap3A_34 = vector.shape_cast %slice3A_28 : vector<65x256xf32> to vector<65x1x256xf32>
    tpu.vector_store %arg3[%swap3A_29, %swap3A_30, %swap3A_31], %swap3A_34 {strides = array<i32>} : memref<65x8x256xf32, #tpu.memory_space<vmem>>, vector<65x1x256xf32>,
    %get3A_35 = arith.constant 0 : index
    %get3A_36 = arith.constant 3 : index
    %get3A_37 = arith.constant 0 : index
    %get3A_38 = vector.load %arg2[%get3A_35, %get3A_36, %get3A_37] : memref<256x8x128xf32, #tpu.memory_space<vmem>>, vector<256x1x128xf32>
    %get3A_39 = vector.shape_cast %get3A_38 : vector<256x1x128xf32> to vector<256x128xf32>
    %transpose3A_40 = tpu.transpose %get3A_39, [1, 0] : vector<256x128xf32> -> vector<128x256xf32>
    %slice3A_41 = vector.extract_strided_slice %transpose3A_40 {offsets = [0, 0], sizes = [65, 256], strides = [1, 1]} : vector<128x256xf32> to vector<65x256xf32>
    %swap3A_42 = arith.constant 0 : index
    %swap3A_43 = arith.constant 3 : index
    %swap3A_44 = arith.constant 0 : index
    %swap3A_45 = vector.load %arg3[%swap3A_42, %swap3A_43, %swap3A_44] : memref<65x8x256xf32, #tpu.memory_space<vmem>>, vector<65x1x256xf32>
    %swap3A_46 = vector.shape_cast %swap3A_45 : vector<65x1x256xf32> to vector<65x256xf32>
    %swap3A_47 = vector.shape_cast %slice3A_41 : vector<65x256xf32> to vector<65x1x256xf32>
    tpu.vector_store %arg3[%swap3A_42, %swap3A_43, %swap3A_44], %swap3A_47 {strides = array<i32>} : memref<65x8x256xf32, #tpu.memory_space<vmem>>, vector<65x1x256xf32>,
    %get3A_48 = arith.constant 0 : index
    %get3A_49 = arith.constant 4 : index
    %get3A_50 = arith.constant 0 : index
    %get3A_51 = vector.load %arg2[%get3A_48, %get3A_49, %get3A_50] : memref<256x8x128xf32, #tpu.memory_space<vmem>>, vector<256x1x128xf32>
    %get3A_52 = vector.shape_cast %get3A_51 : vector<256x1x128xf32> to vector<256x128xf32>
    %transpose3A_53 = tpu.transpose %get3A_52, [1, 0] : vector<256x128xf32> -> vector<128x256xf32>
    %slice3A_54 = vector.extract_strided_slice %transpose3A_53 {offsets = [0, 0], sizes = [65, 256], strides = [1, 1]} : vector<128x256xf32> to vector<65x256xf32>
    %swap3A_55 = arith.constant 0 : index
    %swap3A_56 = arith.constant 4 : index
    %swap3A_57 = arith.constant 0 : index
    %swap3A_58 = vector.load %arg3[%swap3A_55, %swap3A_56, %swap3A_57] : memref<65x8x256xf32, #tpu.memory_space<vmem>>, vector<65x1x256xf32>
    %swap3A_59 = vector.shape_cast %swap3A_58 : vector<65x1x256xf32> to vector<65x256xf32>
    %swap3A_60 = vector.shape_cast %slice3A_54 : vector<65x256xf32> to vector<65x1x256xf32>
    tpu.vector_store %arg3[%swap3A_55, %swap3A_56, %swap3A_57], %swap3A_60 {strides = array<i32>} : memref<65x8x256xf32, #tpu.memory_space<vmem>>, vector<65x1x256xf32>,
    %get3A_61 = arith.constant 0 : index
    %get3A_62 = arith.constant 5 : index
    %get3A_63 = arith.constant 0 : index
    %get3A_64 = vector.load %arg2[%get3A_61, %get3A_62, %get3A_63] : memref<256x8x128xf32, #tpu.memory_space<vmem>>, vector<256x1x128xf32>
    %get3A_65 = vector.shape_cast %get3A_64 : vector<256x1x128xf32> to vector<256x128xf32>
    %transpose3A_66 = tpu.transpose %get3A_65, [1, 0] : vector<256x128xf32> -> vector<128x256xf32>
    %slice3A_67 = vector.extract_strided_slice %transpose3A_66 {offsets = [0, 0], sizes = [65, 256], strides = [1, 1]} : vector<128x256xf32> to vector<65x256xf32>
    %swap3A_68 = arith.constant 0 : index
    %swap3A_69 = arith.constant 5 : index
    %swap3A_70 = arith.constant 0 : index
    %swap3A_71 = vector.load %arg3[%swap3A_68, %swap3A_69, %swap3A_70] : memref<65x8x256xf32, #tpu.memory_space<vmem>>, vector<65x1x256xf32>
    %swap3A_72 = vector.shape_cast %swap3A_71 : vector<65x1x256xf32> to vector<65x256xf32>
    %swap3A_73 = vector.shape_cast %slice3A_67 : vector<65x256xf32> to vector<65x1x256xf32>
    tpu.vector_store %arg3[%swap3A_68, %swap3A_69, %swap3A_70], %swap3A_73 {strides = array<i32>} : memref<65x8x256xf32, #tpu.memory_space<vmem>>, vector<65x1x256xf32>,
    %get3A_74 = arith.constant 0 : index
    %get3A_75 = arith.constant 6 : index
    %get3A_76 = arith.constant 0 : index
    %get3A_77 = vector.load %arg2[%get3A_74, %get3A_75, %get3A_76] : memref<256x8x128xf32, #tpu.memory_space<vmem>>, vector<256x1x128xf32>
    %get3A_78 = vector.shape_cast %get3A_77 : vector<256x1x128xf32> to vector<256x128xf32>
    %transpose3A_79 = tpu.transpose %get3A_78, [1, 0] : vector<256x128xf32> -> vector<128x256xf32>
    %slice3A_80 = vector.extract_strided_slice %transpose3A_79 {offsets = [0, 0], sizes = [65, 256], strides = [1, 1]} : vector<128x256xf32> to vector<65x256xf32>
    %swap3A_81 = arith.constant 0 : index
    %swap3A_82 = arith.constant 6 : index
    %swap3A_83 = arith.constant 0 : index
    %swap3A_84 = vector.load %arg3[%swap3A_81, %swap3A_82, %swap3A_83] : memref<65x8x256xf32, #tpu.memory_space<vmem>>, vector<65x1x256xf32>
    %swap3A_85 = vector.shape_cast %swap3A_84 : vector<65x1x256xf32> to vector<65x256xf32>
    %swap3A_86 = vector.shape_cast %slice3A_80 : vector<65x256xf32> to vector<65x1x256xf32>
    tpu.vector_store %arg3[%swap3A_81, %swap3A_82, %swap3A_83], %swap3A_86 {strides = array<i32>} : memref<65x8x256xf32, #tpu.memory_space<vmem>>, vector<65x1x256xf32>,
    %get3A_87 = arith.constant 0 : index
    %get3A_88 = arith.constant 7 : index
    %get3A_89 = arith.constant 0 : index
    %get3A_90 = vector.load %arg2[%get3A_87, %get3A_88, %get3A_89] : memref<256x8x128xf32, #tpu.memory_space<vmem>>, vector<256x1x128xf32>
    %get3A_91 = vector.shape_cast %get3A_90 : vector<256x1x128xf32> to vector<256x128xf32>
    %transpose3A_92 = tpu.transpose %get3A_91, [1, 0] : vector<256x128xf32> -> vector<128x256xf32>
    %slice3A_93 = vector.extract_strided_slice %transpose3A_92 {offsets = [0, 0], sizes = [65, 256], strides = [1, 1]} : vector<128x256xf32> to vector<65x256xf32>
    %swap3A_94 = arith.constant 0 : index
    %swap3A_95 = arith.constant 7 : index
    %swap3A_96 = arith.constant 0 : index
    %swap3A_97 = vector.load %arg3[%swap3A_94, %swap3A_95, %swap3A_96] : memref<65x8x256xf32, #tpu.memory_space<vmem>>, vector<65x1x256xf32>
    %swap3A_98 = vector.shape_cast %swap3A_97 : vector<65x1x256xf32> to vector<65x256xf32>
    %swap3A_99 = vector.shape_cast %slice3A_93 : vector<65x256xf32> to vector<65x1x256xf32>
    tpu.vector_store %arg3[%swap3A_94, %swap3A_95, %swap3A_96], %swap3A_99 {strides = array<i32>} : memref<65x8x256xf32, #tpu.memory_space<vmem>>, vector<65x1x256xf32>,
    return
  }
  func.func @transform_0(%arg0: i32, %arg1: i32) -> (i32, i32, i32) {
    %c0_i32 = arith.constant 0 : i32
    %c0_i32_0 = arith.constant 0 : i32
    return %arg0, %arg1, %c0_i32 : i32, i32, i32
  }
  func.func @transform_1(%arg0: i32, %arg1: i32) -> (i32, i32, i32) {
    %c0_i32 = arith.constant 0 : i32
    %c0_i32_0 = arith.constant 0 : i32
    return %c0_i32, %arg1, %arg0 : i32, i32, i32
  }
}

</mosaic_0001>

<sc_bundles>
// kernel: kernel.5.cloned.1.call-start
scs
__scs_entry_jumppad:
0x0: {  	(pc) =	sbr.rel $0x88, $3  }
0x1: {  	(tag) =	ssettag $0x0;
	lr =	simm.s32 $0x1  }
0x2: {  	[smem:$0x3F9F] =	sst lr;
	_ =	strace $0xD0000000  }
0x3: {  	_ = 	snop  }
0x4: {  	_ = 	snop  }
0x5: {  	_ = 	snop  }
0x6: {  	_ = 	snop  }
0x7: {  	_ = 	snop  }
__scs_overlays_trampoline_lowered:
0x8: {  	[smem:$0x3FAE] =	sst s0  }
0x9: {  	[smem:$0x3FAF] =	sst s1  }
0xa: {  	[smem:$0x3FB0] =	sst s2  }
0xb: {  	[smem:$0x3FB1] =	sst s3  }
0xc: {  	[smem:$0x3FB2] =	sst s4  }
0xd: {  	[smem:$0x3FB3] =	sst s5  }
0xe: {  	[smem:$0x3FB4] =	sst s6  }
0xf: {  	[smem:$0x3FB5] =	sst s7  }
0x10: {  	[smem:$0x3FB6] =	sst s8  }
0x11: {  	[smem:$0x3FB7] =	sst s9;
	s0 =	simm.s32 @!p0 $0x0  }
0x12: {  	s1 =	sld [smem:$0x3F9D];
	s0 =	simm.s32 @p0 $0x1  }
0x13: {  	[smem:$0x3FB8] =	sst s0;
	s0 =	simm.s32 @!p1 $0x0  }
0x14: {  	s2 =	sld [smem:$0x3F9C];
	s0 =	simm.s32 @p1 $0x1  }
0x15: {  	[smem:$0x3FB9] =	sst s0;
	s0 =	simm.s32 @!p2 $0x0  }
0x16: {  	s3 =	sld [smem:$0x3FDB];
	s0 =	simm.s32 @p2 $0x1  }
0x17: {  	s4 =	simm.s32 $0x1BF5;
	[smem:$0x3FBB] =	sst s0  }
0x18: {  	s0 =	sld [smem:$0x3F9E];
	_ =	swait.ge [sflag:s4], $0x0  }
0x19: {  	s7 =	sld [smem:$0x3F9F]  }
0x1a: {  	s8 =	sadd.s32 $0xFFFFE003, lr  }
0x1b: {  	s9 =	sadd.s32 $0xFFFFFEF7, lr;
	s5 =	simm.s32 $0xFFFFFFFF;
	p2 =	slt.u32 s8, $0xFFFFF086  }
0x1c: {  	p1 =	slt.u32 s9, $0xF7A;
	s5 =	simm.s32 @!p2 $0x0  }
0x1d: {  	s5 =	simm.s32 @p1 $0x1;
	p0 =	seq.s32 s7, s2  }
0x1e: {  	s7 =	smul.u32 @!p0 $0xF7A, s2;
	p2 =	seq.s32 @!p0 s5, $0x0  }
0x1f: {  	s9 =	smul.u32 $0xF7A, s1;
	s8 =	simm.s32 @!p0 $0x1BF5;
	p2 =	por !p2, p0  }
0x20: {  	[sflag:s8] =	ssyncset.s32 @!p0 $0xFFFFF086;
	s6 =	sadd.s32 @!p0 s3, s7;
	s7 =	simm.s32 @!p0 $0x108  }
0x21: {  	s3 =	sadd.s32 s3, s9;
	s6 =	sadd.s32 @!p0 $0x88, s6;
	s7 =	simm.s32 @p2 $0x1082  }
0x22: {  	[simem:s7], [sflag:s8] =	dma.local @!p0 [hbm:s6], $0xF7A  }
0x23: {  	s9 =	sor.u32 $0xD0000000, s2;
	s6 =	simm.s32 $0x108;
	_ =	swait.ge @!p0 [sflag:s8], $0x0  }
0x24: {  	s3 =	sadd.s32 $0x88, s3;
	s6 =	simm.s32 @!p1 $0x1082;
	[sflag:s4] =	ssyncset.s32 $0xFFFFF086  }
0x25: {  	[simem:s6], [sflag:s4] =	dma.local [hbm:s3], $0xF7A  }
0x26: {  	[smem:$0x3F9F] =	sst s1;
	(tag) =	ssettag s2;
	_ =	strace s9  }
0x27: {  	s1 =	sld [smem:$0x3FAF]  }
0x28: {  	s2 =	sld [smem:$0x3FB0]  }
0x29: {  	s4 =	sld [smem:$0x3FB2]  }
0x2a: {  	p0 =	seq.s32 s5, $0x0;
	s5 =	sld [smem:$0x3FB3]  }
0x2b: {  	s6 =	sld [smem:$0x3FB4]  }
0x2c: {  	s7 =	sld [smem:$0x3FB5]  }
0x2d: {  	s3 =	simm.s32 $0x108;
	s8 =	sld [smem:$0x3FB6]  }
0x2e: {  	s3 =	simm.s32 @!p0 $0x1082;
	s9 =	sld [smem:$0x3FB7]  }
0x2f: {  	lr =	sadd.s32 s0, s3;
	s0 =	sld [smem:$0x3FAE]  }
0x30: {  	s3 =	sld [smem:$0x3FB1]  }
0x31: {  	[smem:$0x3FBA] =	sst s10  }
0x32: {  	s10 =	sld [smem:$0x3FB8];
	_ =	sdelay $0x3  }
0x33: {  	p0 =	seq.s32 s10, $0x1;
	s10 =	sld [smem:$0x3FBA];
	_ =	sdelay $0x3  }
0x34: {  	[smem:$0x3FBA] =	sst s10  }
0x35: {  	s10 =	sld [smem:$0x3FB9];
	_ =	sdelay $0x3  }
0x36: {  	p1 =	seq.s32 s10, $0x1;
	s10 =	sld [smem:$0x3FBA];
	_ =	sdelay $0x3  }
0x37: {  	[smem:$0x3FBA] =	sst s10  }
0x38: {  	s10 =	sld [smem:$0x3FBB]  }
0x39: {  	_ = 	snop;
	(pc) =	sbr.ind lr, $3  }
0x3a: {  	_ = 	snop  }
0x3b: {  	_ = 	snop  }
0x3c: {  	p2 =	seq.s32 s10, $0x1;
	s10 =	sld [smem:$0x3FBA]  }
0x3d: {  	_ =	shalt  }
0x3e: {  	_ =	shalt  }
0x3f: {  	_ =	shalt  }
0x40: {  	_ =	shalt  }
0x41: {  	_ =	shalt  }
0x42: {  	_ =	shalt  }
0x43: {  	_ =	shalt  }
0x44: {  	_ =	shalt  }
0x45: {  	_ =	shalt  }
0x46: {  	_ =	shalt  }
0x47: {  	_ =	shalt  }
0x48: {  	_ =	shalt  }
0x49: {  	_ =	shalt  }
0x4a: {  	_ =	shalt  }
0x4b: {  	_ =	shalt  }
0x4c: {  	_ =	shalt  }
0x4d: {  	_ =	shalt  }
0x4e: {  	_ =	shalt  }
0x4f: {  	_ =	shalt  }
0x50: {  	_ =	shalt  }
0x51: {  	_ =	shalt  }
0x52: {  	_ =	shalt  }
0x53: {  	_ =	shalt  }
0x54: {  	_ =	shalt  }
0x55: {  	_ =	shalt  }
0x56: {  	_ =	shalt  }
0x57: {  	_ =	shalt  }
0x58: {  	_ =	shalt  }
0x59: {  	_ =	shalt  }
0x5a: {  	_ =	shalt  }
0x5b: {  	_ =	shalt  }
0x5c: {  	_ =	shalt  }
0x5d: {  	_ =	shalt  }
0x5e: {  	_ =	shalt  }
0x5f: {  	_ =	shalt  }
0x60: {  	_ =	shalt  }
0x61: {  	_ =	shalt  }
0x62: {  	_ =	shalt  }
0x63: {  	_ =	shalt  }
0x64: {  	_ =	shalt  }
0x65: {  	_ =	shalt  }
0x66: {  	_ =	shalt  }
0x67: {  	_ =	shalt  }
0x68: {  	_ =	shalt  }
0x69: {  	_ =	shalt  }
0x6a: {  	_ =	shalt  }
0x6b: {  	_ =	shalt  }
0x6c: {  	_ =	shalt  }
0x6d: {  	_ =	shalt  }
0x6e: {  	_ =	shalt  }
0x6f: {  	_ =	shalt  }
0x70: {  	_ =	shalt  }
0x71: {  	_ =	shalt  }
0x72: {  	_ =	shalt  }
0x73: {  	_ =	shalt  }
0x74: {  	_ =	shalt  }
0x75: {  	_ =	shalt  }
0x76: {  	_ =	shalt  }
0x77: {  	_ =	shalt  }
0x78: {  	_ =	shalt  }
0x79: {  	_ =	shalt  }
0x7a: {  	_ =	shalt  }
0x7b: {  	_ =	shalt  }
0x7c: {  	_ =	shalt  }
0x7d: {  	_ =	shalt  }
0x7e: {  	_ =	shalt  }
0x7f: {  	_ =	shalt  }
0x80: {  	_ =	shalt  }
0x81: {  	_ =	shalt  }
0x82: {  	_ =	shalt  }
0x83: {  	_ =	shalt  }
0x84: {  	_ =	shalt  }
0x85: {  	_ =	shalt  }
0x86: {  	_ =	shalt  }
0x87: {  	_ =	shalt  }
.Lfunc_end0:
.L_simem_size_0:
called_computation_lowered:
.L_overlay_start_0:
0x88: {  	s2 =	sld [smem:$0x3FD9]  }
0x89: {  	s3 =	sld [smem:$0x3FFE];
	_ =	sdelay $0x1  }
0x8a: {  	s1 =	srdreg.scid  }
0x8b: {  	s0 =	sand.u32 $0x1, s1  }
0x8c: {  	s17 =	sshll.u32 s0, $0xA;
	s2 =	sadd.s32 s3, s2  }
0x8d: {  	s2 =	sadd.s32 s2, s17  }
0x8e: {  	[smem:$0x3FC6] =	sst s2  }
0x8f: {  	_ = 	snop  }
0x90: {  	s2 =	sld [smem:$0x3FD0];
	(tm) =	ssettm $0x1  }
0x91: {  	s18 =	sld [smem:$0x3FFB];
	_ =	sdelay $0x3  }
0x92: {  	_ =	strace s18  }
0x93: {  	s3 =	sld [smem:$0x3FFC];
	_ =	sdelay $0x3  }
0x94: {  	_ =	strace s3  }
0x95: {  	s3 =	sld [smem:$0x3FFD];
	_ =	sdelay $0x3  }
0x96: {  	_ =	strace s3  }
0x97: {  	_ =	strace $0x8FFFFFFF  }
0x98: {  	s19 =	sld [smem:$0x3FDB];
	_ =	sdelay $0x1  }
0x99: {  	s4 =	simm.s32 $_scs_section_size  }
0x9a: {  	s5 =	simm.s32 $_size__tile_overlayer_lowered;
	s6 =	simm.s32 $_tile_overlayer_lowered  }
0x9b: {  	s22 =	simm.s32 $0x1BFF;
	s21 =	sshll.u32 s6, $0x1;
	s3 =	sadd.s32 s4, s19  }
0x9c: {  	s7 =	simm.s32 $0x0;
	s20 =	sshll.u32 s5, $0x1;
	s5 =	sadd.s32 s21, s3  }
0x9d: {  	[timem:s7], [sflag:s22] =	dma.local [hbm:s5], s20  }
0x9e: {  	_ =	swait.ge [sflag:s22], s20  }
0x9f: {  	s4 =	ssub.s32 $0x0, s20;
	[sflag:s22] =	ssyncset.done $0x0  }
0xa0: {  	[sflag:s22] =	ssyncadd.s32 s4;
	_ =	sdelay $0x1  }
0xa1: {  	s23 =	simm.s32 $0x1B8B  }
0xa2: {  	_ =	swait.ge [sflag:s23], $0x1  }
0xa3: {  	[sflag:s23] =	ssyncset.done $0x0  }
0xa4: {  	s25 =	simm.s32 $0x1B8E;
	s24 =	sld [smem:$0x3FFE];
	[sflag:s23] =	ssyncadd.s32 $0xFFFFFFFF  }
0xa5: {  	s26 =	simm.s32 $execute0_lowered;
	[smem:$0x3FD2] =	sst s25  }
0xa6: {  	s5 =	sshll.u32 s26, $0x1;
	_ =	strace $0x80000046;
	[dreg:$0x1] =	wrdreg $0xFFFFFFFF  }
0xa7: {  	s28 =	simm.s32 $_size_execute0_lowered;
	s3 =	sadd.s32 s3, s5;
	[dreg:$0x0] =	wrdreg $0x0  }
0xa8: {  	s5 =	sshll.u32 s28, $0x1;
	[dreg:$0x2] =	wrdreg s3  }
0xa9: {  	[dreg:$0x3] =	wrdreg s5  }
0xaa: {  	[dreg:$0x4] =	wrdreg $0xC0  }
0xab: {  	_ =	task [dreg:s7], $0x5FFFF  }
0xac: {  	[dreg:$0x1] =	wrdreg $0xFFFFFFFF  }
0xad: {  	[dreg:$0x0] =	wrdreg $0x60  }
0xae: {  	[dreg:$0x2] =	wrdreg s2  }
0xaf: {  	[dreg:$0x3] =	wrdreg s24  }
0xb0: {  	[dreg:$0x4] =	wrdreg $0x9  }
0xb1: {  	_ =	task.clear_ibuf [dreg:s7], $0x5FFFF;
	_ =	strace $0x90000046  }
0xb2: {  	s29 =	simm.s32 $0x9;
	_ =	strace $0x80000048  }
0xb3: {  	_ =	swait.ge [sflag:s29], $0x1  }
0xb4: {  	[sflag:s29] =	ssyncadd.s32 $0xFFFFFFFF  }
0xb5: {  	_ =	strace $0x90000048  }
0xb6: {  	_ =	sfence  }
0xb7: {  	s30 =	sld [smem:$0x0];
	_ =	sdelay $0x2  }
0xb8: {  	s31 =	sshll.u32 s1, $0xD;
	s1 =	sshrl.u32 s1, $0x2  }
0xb9: {  	s3 =	sand.u32 $0x4000, s31;
	s1 =	sadd.s32 s1, s30  }
0xba: {  	s0 =	sor.u32 s3, s0;
	s1 =	sshll.u32 s1, $0x11  }
0xbb: {  	s0 =	sor.u32 s1, s0  }
0xbc: {  	s0 =	sadd.s32 $0x8F2B, s0  }
0xbd: {  	[sflag:s0] =	ssyncadd.remote.s32 $0x1  }
0xbe: {  	_ =	sfence.sel $0xFFFF  }
0xbf: {  	[dreg:$0x0] =	wrdreg $0xFFFFFFFF;
	(pc) =	sbr.abs _section_cstart, $3  }
0xc0: {  	[dreg:$0x1] =	wrdreg $0xFFFFFFFF  }
0xc1: {  	_ =	task.clear_ibuf [dreg:s7], $0x2FFFF;
	_ =	strace $0x9FFFFFFF  }
0xc2: {  	(tm) =	ssettm $0x7FFFFFFF  }
0xc3: {  	_ =	shalt  }
tec
execute0_lowered:
.L_overlay_start_1:
0x0: {  	(tag) =	ssettag $0x1  }
0x1: {  	s1 =	rddreg [dreg:$0x0]  }
0x2: {  	s5 =	rddreg [dreg:$0x1];
	s2 =	srdreg.scid  }
0x3: {  	s0 =	rddreg [dreg:$0x2];
	s3 =	simm.s32 $0x0;
	s10 =	simm.s32 $0x4200  }
0x4: {  	s11 =	simm.s32 $0x100;
	s12 =	simm.s32 $0x8200;
	s13 =	simm.s32 $0x180  }
0x5: {  	s14 =	simm.s32 $0xC200;
	s15 =	simm.s32 $0x1;
	s16 =	simm.s32 $0x0  }
0x6: {  	s6 =	sand.u32 $0x1, s2;
	[smem:$0x7FF] =	sst s3;
	s2 =	stileid.u32  }
0x7: {  	s4 =	sadd.s32 $0x400, s5;
	s5 =	sadd.s32 $0xF42800, s5;
	s7 =	ssub.s32 $0x2, s6  }
0x8: {  	_ =	strace $0x80000047;
	s9 =	sshll.u32 s2, $0x1;
	s8 =	sshrl.u32 s7, $0x1  }
0x9: {  	s6 =	sor.u32 s6, s9;
	s9 =	simm.s32 $0x80;
	s7 =	ssub.s32 s7, s8  }
0xa: {  	s6 =	smul.u32 $0x6400, s6;
	s8 =	simm.s32 $0x2;
	s7 =	smax.u32 s7, $0x1  }
.LBB2_1:
0xb: {  	s17 =	simm.s32 $0x0  }
.LBB2_2:
0xc: {  	s18 =	sshll.u32 s17, $0x9  }
0xd: {  	s19 =	sadd.s32 s6, s18  }
0xe: {  	s18 =	sshrl.u32 s19, $0x3  }
0xf: {  	s20 =	simm.s32 $0x0;
	s18 =	sadd.s32 s1, s18  }
0x10: {  	[tilespmem:s20], [sflag:$0x2] =	stream.linear.gather [hbm4b:s18+s20], $0x200, $0x38;
	[tilespmem:$0x10200] =	vst v63  }
0x11: {  	_ =	swait.ge [sflag:s8], $0x200  }
0x12: {  	[sflag:s8] =	ssyncset.done $0x0  }
0x13: {  	s18 =	simm.s32 $0x200;
	[sflag:s8] =	ssyncadd.s32 $0xFFFFFE00  }
0x14: {  	[tilespmem:s18], [sflag:$0x1] =	stream.indirect.gather [hbm4b:s4+s9], $0x80, s20, s9, $0xb8;
	[tilespmem:$0x10200] =	vst v63  }
0x15: {  	_ = 	snop  }
0x16: {  	[tilespmem:s10], [sflag:$0x1] =	stream.indirect.gather [hbm4b:s4+s9], $0x80, s9, s9, $0xb8;
	[tilespmem:$0x10200] =	vst v63  }
0x17: {  	_ = 	snop  }
0x18: {  	[tilespmem:s12], [sflag:$0x1] =	stream.indirect.gather [hbm4b:s4+s9], $0x80, s11, s9, $0xb8;
	[tilespmem:$0x10200] =	vst v63  }
0x19: {  	_ = 	snop  }
0x1a: {  	[tilespmem:s14], [sflag:$0x1] =	stream.indirect.gather [hbm4b:s4+s9], $0x80, s13, s9, $0xb8;
	[tilespmem:$0x10200] =	vst v63  }
0x1b: {  	_ =	swait.ge [sflag:s15], $0x4000  }
0x1c: {  	[sflag:s15] =	ssyncset.done $0x0  }
0x1d: {  	[sflag:s15] =	ssyncadd.s32 $0xFFFFC000  }
0x1e: {  	_ =	swait.ge [sflag:s15], $0x4000  }
0x1f: {  	[sflag:s15] =	ssyncset.done $0x0  }
0x20: {  	[sflag:s15] =	ssyncadd.s32 $0xFFFFC000  }
0x21: {  	_ =	swait.ge [sflag:s15], $0x4000  }
0x22: {  	[sflag:s15] =	ssyncset.done $0x0  }
0x23: {  	[sflag:s15] =	ssyncadd.s32 $0xFFFFC000  }
0x24: {  	s19 =	sshll.u32 s19, $0x4;
	_ =	swait.ge [sflag:s15], $0x4000  }
0x25: {  	s21 =	simm.s32 $0x280;
	s19 =	sadd.s32 s5, s19;
	[sflag:s15] =	ssyncset.done $0x0  }
0x26: {  	s22 =	sadd.s32 $0x0, s19;
	s20 =	simm.s32 $0x10;
	[sflag:s15] =	ssyncadd.s32 $0xFFFFC000  }
.LBB2_3:
0x27: {  	[hbm4b:s22+s3] =	stream.linear.scatter [tilespmem:s18], [sflag:$0x2], $0x48, $0x38;
	[tilespmem:$0x10200] =	vst v63  }
0x28: {  	s22 =	smov.u32 s20;
	s18 =	smov.u32 s21;
	p0 =	sne.s32 s20, $0x1FF0  }
.Ltmp0:
0x29: {  	s20 =	sadd.s32 $0x10, s20;
	(pc) =	sbr.rel @p0 .LBB2_3-.Ltmp0, $2  }
0x2a: {  	_ =	sdelay $0x2  }
0x2b: {  	s21 =	sadd.s32 $0x80, s21;
	s22 =	sadd.s32 s22, s19  }
0x2c: {  	s17 =	sadd.s32 $0x1, s17  }
0x2d: {  	p0 =	sne.s32 s17, $0x32  }
.Ltmp1:
0x2e: {  	_ = 	snop;
	(pc) =	sbr.rel @p0 .LBB2_2-.Ltmp1, $4  }
0x2f: {  	[hbm4b:s22+s3] =	stream.linear.scatter [tilespmem:s18], [sflag:$0x2], $0x48, $0x38;
	[tilespmem:$0x10200] =	vst v63  }
0x30: {  	_ =	swait.ge [sflag:s8], $0x9000  }
0x31: {  	[sflag:s8] =	ssyncset.done $0x0  }
0x32: {  	[sflag:s8] =	ssyncadd.s32 $0xFFFF7000  }
0x33: {  	s16 =	sadd.s32 $0x1, s16  }
0x34: {  	p0 =	sne.s32 s16, s7  }
.Ltmp2:
0x35: {  	_ = 	snop;
	(pc) =	sbr.rel @p0 .LBB2_1-.Ltmp2, $1  }
0x36: {  	_ =	sdelay $0x3  }
0x37: {  	_ =	sfence.sel $0x180000  }
0x38: {  	[bflag:$0x0] =	sbarrier.arrive $0xFFFF  }
0x39: {  	p0 =	sne.s32 s2, $0x0;
	_ =	strace $0x90000047  }
0x3a: {  	s0 =	sadd.s32 @!p0 $0x100000, s0;
	[bflag:$0x2] =	sbarrier.arrive $0xFFFF  }
0x3b: {  	[sflag:s0] =	ssyncadd.tile.s32 @!p0 $0x1;
	_ =	shalt  }
.Lfunc_end2:
_tile_overlayer_lowered:
.L_overlay_start_2:
0x3c: {  	(tag) =	ssettag $0x2  }
0x3d: {  	s0 =	rddreg [dreg:$0x0];
	s2 =	stileid.u32  }
0x3e: {  	s1 =	rddreg [dreg:$0x1];
	p0 =	sne.s32 s2, $0x0  }
0x3f: {  	s3 =	rddreg [dreg:$0x2];
	[bflag:$0x3] =	sbarrier.arrive $0xFFFF;
	s2 =	simm.s32 @!p0 $0x1C02  }
0x40: {  	[timem:s3], [sflag:s2] =	dma.local @!p0 [hbm:s0], s1  }
0x41: {  	s0 =	simm.s32 @!p0 $0x2  }
0x42: {  	_ =	swait.ge @!p0 [sflag:s0], s1  }
0x43: {  	s1 =	ssub.s32 @!p0 $0x0, s1;
	[sflag:s0] =	ssyncset.done @!p0 $0x0  }
0x44: {  	[sflag:s0] =	ssyncadd.s32 @!p0 s1  }
0x45: {  	[bflag:$0x3] =	sbarrier.arrive $0xFFFF  }
0x46: {  	_ =	shalt  }

</sc_bundles>
